<compile_context>
chip_gen: v7x
topology: tpu7x:2x2x1
jax: 0.10.2.dev20260603
libtpu: 0.0.44.dev20260713+nightly
codegen_flags: <defaults>
</compile_context>

<pallas_src>
import functools

import jax
import jax.numpy as jnp
from jax import lax
from jax.experimental import pallas as pl
from jax.experimental.pallas import tpu as pltpu
from jax.experimental.pallas import tpu_sc as plsc

ALPHA = 3.0
KTOP = 20
NEG = -3.0e38


def _sc_gather(tab, idx):
    b = idx.shape[0]
    d = tab.shape[1]
    try:
        info = plsc.get_sparse_core_info()
        nc, ns = info.num_cores, info.num_subcores
    except ValueError:
        nc, ns = 2, 16
    nw = nc * ns
    chunk = 104 if b >= 104 * nw else 8
    nch = b // (chunk * nw)
    bpw = chunk * nch
    tail = b - bpw * nw
    mesh = plsc.VectorSubcoreMesh(core_axis_name="c", subcore_axis_name="s",
                                  num_cores=nc, num_subcores=ns)

    @functools.partial(
        pl.kernel, mesh=mesh,
        out_type=jax.ShapeDtypeStruct((b, d), jnp.float32),
        scratch_types=[
            pltpu.VMEM((chunk,), jnp.int32),
            pltpu.VMEM((chunk, d), jnp.float32),
            pltpu.VMEM((max(tail, 8),), jnp.int32),
            pltpu.VMEM((max(tail, 8), d), jnp.float32),
            pltpu.SemaphoreType.DMA,
        ],
    )
    def k(tab_hbm, idx_hbm, o_hbm, idx_v, rows_v, idxt_v, rowst_v, sem):
        wid = lax.axis_index("s") * nc + lax.axis_index("c")
        for ci in range(nch):
            base = wid * bpw + ci * chunk
            pltpu.sync_copy(idx_hbm.at[pl.ds(base, chunk)], idx_v)
            pltpu.async_copy(tab_hbm.at[idx_v], rows_v, sem).wait()
            pltpu.sync_copy(rows_v, o_hbm.at[pl.ds(base, chunk)])
        if tail:
            @pl.when(wid == 0)
            def _tail():
                tb = nw * bpw
                pltpu.sync_copy(idx_hbm.at[pl.ds(tb, tail)], idxt_v)
                pltpu.async_copy(tab_hbm.at[idxt_v], rowst_v, sem).wait()
                pltpu.sync_copy(rowst_v, o_hbm.at[pl.ds(tb, tail)])

    return k(tab, idx)


def _nodevec_body(emb1_ref, emb2_ref, w1_ref, b1_ref, w2_ref, b2_ref,
                  c1_ref, c2_ref):
    dn = (((1,), (1,)), ((), ()))
    y1 = jax.lax.dot_general(emb1_ref[...], w1_ref[...], dn,
                             preferred_element_type=jnp.float32)
    y2 = jax.lax.dot_general(emb2_ref[...], w2_ref[...], dn,
                             preferred_element_type=jnp.float32)
    n1 = jnp.tanh(ALPHA * (y1 + b1_ref[...]))
    n2 = jnp.tanh(ALPHA * (y2 + b2_ref[...]))
    c1_ref[...] = jnp.concatenate([n1, -n2], axis=1)
    c2_ref[...] = jnp.concatenate([n2, n1], axis=1)


def _pick_cw(n):
    best = 1
    d = 1
    while d * d <= n:
        if n % d == 0:
            best = d
        d += 1
    return best


def _adj_body(c1b_ref, c2_ref, epos_ref, echk_ref, tri_ref, tri2_ref,
              jchunk_ref, jcol_ref, out_ref):
    r = c1b_ref.shape[0]
    n = c2_ref.shape[0]
    dn1 = (((1,), (1,)), ((), ()))
    dn0 = (((1,), (0,)), ((), ()))
    a = jax.lax.dot_general(c1b_ref[...], c2_ref[...], dn1,
                            preferred_element_type=jnp.float32)
    adj = jnp.where(a > 0.0, jnp.tanh(ALPHA * a), 0.0)

    kf = jnp.float32(KTOP)
    m1 = jnp.max(adj, axis=1, keepdims=True)
    cnt1 = jnp.sum((adj >= m1).astype(jnp.float32), axis=1, keepdims=True)
    hit1 = cnt1 >= kf
    v20_0 = jnp.where(hit1, m1, 0.0)
    need_0 = jnp.where(hit1, kf, 0.0)

    def cond(st):
        cum = st[0]
        it = st[-1]
        return jnp.logical_and(jnp.any(cum < kf), it < KTOP)

    def body(st):
        cum, thr, v20, need, it = st
        m = jnp.max(jnp.where(adj < thr, adj, NEG), axis=1, keepdims=True)
        cnt = jnp.sum((adj == m).astype(jnp.float32), axis=1, keepdims=True)
        active = cum < kf
        hit = active & (cum + cnt >= kf)
        v20 = jnp.where(hit, m, v20)
        need = jnp.where(hit, kf - cum, need)
        thr = jnp.where(active, m, thr)
        cum = cum + jnp.where(active, cnt, 0.0)
        return cum, thr, v20, need, it + 1

    init = (cnt1, m1, v20_0, need_0, jnp.int32(0))
    _, _, v20, need_f, _ = jax.lax.while_loop(cond, body, init)

    tie = adj == v20
    tie_b = tie.astype(jnp.bfloat16)
    s = jax.lax.dot_general(tie_b, echk_ref[...], dn0,
                            preferred_element_type=jnp.float32)
    p = jax.lax.dot_general(s, tri2_ref[...], dn0,
                            preferred_element_type=jnp.float32)

    ch = s.shape[1]
    cw = epos_ref.shape[1]
    cstar = jnp.sum((p < need_f).astype(jnp.int32), axis=1,
                    keepdims=True) - 1
    onehot = (jax.lax.broadcasted_iota(jnp.int32, (r, ch), 1) == cstar)
    quota = need_f - jnp.sum(jnp.where(onehot, p, 0.0), axis=1, keepdims=True)

    extb = jnp.where(jchunk_ref[...] == cstar, tie_b, jnp.bfloat16(0.0))
    ext = jax.lax.dot_general(extb, epos_ref[...], dn0,
                              preferred_element_type=jnp.float32)
    rank_in = jax.lax.dot_general(ext, tri_ref[...], dn0,
                                  preferred_element_type=jnp.float32)
    hitp = (ext > 0.5) & (rank_in == quota - 1.0)
    pidx = jax.lax.broadcasted_iota(jnp.int32, (r, cw), 1)
    pstar = jnp.sum(jnp.where(hitp, pidx, 0), axis=1, keepdims=True)
    jstar = cstar * cw + pstar

    sel = (adj > v20) | (tie & (jcol_ref[...] <= jstar))
    out_ref[...] = jnp.where(sel, adj, 0.0)


def kernel(idx, emb1, emb2, W1, b1, W2, b2):
    n = idx.shape[0]
    d = emb1.shape[1]
    tab = jnp.concatenate(
        [emb1, emb2, jnp.zeros((n, 128 - 2 * d), jnp.float32)], axis=1)
    gathered = _sc_gather(tab, idx.astype(jnp.int32))
    e1 = gathered[:, :d]
    e2 = gathered[:, d:2 * d]
    b1r = b1.reshape(1, d)
    b2r = b2.reshape(1, d)

    c1, c2 = pl.pallas_call(
        _nodevec_body,
        out_shape=(jax.ShapeDtypeStruct((n, 2 * d), jnp.float32),
                   jax.ShapeDtypeStruct((n, 2 * d), jnp.float32)),
    )(e1, e2, W1, b1r, W2, b2r)

    cw = _pick_cw(n)
    ch = n // cw
    jn = jnp.arange(n, dtype=jnp.int32)
    epos = (jn[:, None] % cw == jnp.arange(cw)[None, :]).astype(jnp.bfloat16)
    echk = (jn[:, None] // cw == jnp.arange(ch)[None, :]).astype(jnp.bfloat16)
    tri = (jnp.arange(cw)[:, None] < jnp.arange(cw)[None, :]).astype(jnp.float32)
    tri2 = (jnp.arange(ch)[:, None] < jnp.arange(ch)[None, :]).astype(jnp.float32)
    jchunk = (jn // cw).astype(jnp.int32).reshape(1, n)
    jcol = jn.reshape(1, n)

    rows = 200 if n % 200 == 0 else 8
    grid = n // rows
    adj = pl.pallas_call(
        _adj_body,
        grid=(grid,),
        in_specs=[
            pl.BlockSpec((rows, 2 * d), lambda i: (i, 0)),
            pl.BlockSpec((n, 2 * d), lambda i: (0, 0)),
            pl.BlockSpec((n, cw), lambda i: (0, 0)),
            pl.BlockSpec((n, ch), lambda i: (0, 0)),
            pl.BlockSpec((cw, cw), lambda i: (0, 0)),
            pl.BlockSpec((ch, ch), lambda i: (0, 0)),
            pl.BlockSpec((1, n), lambda i: (0, 0)),
            pl.BlockSpec((1, n), lambda i: (0, 0)),
        ],
        out_specs=pl.BlockSpec((rows, n), lambda i: (i, 0)),
        out_shape=jax.ShapeDtypeStruct((n, n), jnp.float32),
    )(c1, c2, epos, echk, tri, tri2, jchunk, jcol)
    return adj

# --- scband reference (transcript-rebuilt; emitter-appended) ---
"""Pipeline reference for scband-graph-constructor-5978594476527 (READ-ONLY COPY).

The authoritative reference and input builder live on the scoring server;
editing this copy changes nothing except your own understanding.
"""

import jax, jax.numpy as jnp
import numpy as np

NNODES = 10000
DIM = 32
K = 20
ALPHA = 3.0


def setup_inputs(seed: int = 0) -> dict:
    key = jax.random.key(seed)
    ks = jax.random.split(key, 7)
    idx = jnp.arange(NNODES, dtype=jnp.int64) if jax.config.jax_enable_x64 else jnp.arange(NNODES, dtype=jnp.int32)
    # learned params: two embedding tables + two linear layers (torch nn.Linear: y = x @ W.T + b)
    emb1 = jax.random.normal(ks[0], (NNODES, DIM), dtype=jnp.float32)
    emb2 = jax.random.normal(ks[1], (NNODES, DIM), dtype=jnp.float32)
    lim = 1.0 / np.sqrt(DIM)
    W1 = jax.random.uniform(ks[2], (DIM, DIM), minval=-lim, maxval=lim, dtype=jnp.float32)
    b1 = jax.random.uniform(ks[3], (DIM,), minval=-lim, maxval=lim, dtype=jnp.float32)
    W2 = jax.random.uniform(ks[4], (DIM, DIM), minval=-lim, maxval=lim, dtype=jnp.float32)
    b2 = jax.random.uniform(ks[5], (DIM,), minval=-lim, maxval=lim, dtype=jnp.float32)
    return {"idx": idx, "emb1": emb1, "emb2": emb2, "W1": W1, "b1": b1, "W2": W2, "b2": b2}


def reference(idx, emb1, emb2, W1, b1, W2, b2):
    # embedding lookups (gather)
    nodevec1 = jnp.take(emb1, idx, axis=0)
    nodevec2 = jnp.take(emb2, idx, axis=0)
    # linear + tanh
    nodevec1 = jnp.tanh(ALPHA * (nodevec1 @ W1.T + b1))
    nodevec2 = jnp.tanh(ALPHA * (nodevec2 @ W2.T + b2))
    # antisymmetric score matrix
    a = nodevec1 @ nodevec2.T - nodevec2 @ nodevec1.T
    adj = jax.nn.relu(jnp.tanh(ALPHA * a))
    # top-k masking along dim 1: scatter 1.0 at topk indices (values detached, torch's s1.fill_(1))
    n = idx.shape[0]
    _s1, t1 = jax.lax.top_k(adj, K)
    rows = jnp.arange(n)[:, None]
    mask = jnp.zeros((n, n), dtype=adj.dtype).at[rows, t1].set(1.0)
    adj = adj * mask
    return adj

if __name__ == "__main__":
    import jax
    _d = setup_inputs()
    print(jax.jit(kernel)(*tuple(_d.values())))

</pallas_src>

<mosaic_0001>
#map = affine_map<(d0, d1) -> (0, 0)>
#map1 = affine_map<(d0, d1) -> (0)>
module attributes {stable_mosaic.version = 14 : i64} {
  func.func @k(%arg0: i32, %arg1: i32, %arg2: memref<10000x128xf32, #tpu.memory_space<hbm>>, %arg3: memref<10000xi32, #tpu.memory_space<hbm>>, %arg4: memref<10000x128xf32, #tpu.memory_space<hbm>>, %arg5: memref<104xi32, #tpu.memory_space<vmem>>, %arg6: memref<104x128xf32, #tpu.memory_space<vmem>>, %arg7: memref<16xi32, #tpu.memory_space<vmem>>, %arg8: memref<16x128xf32, #tpu.memory_space<vmem>>, %arg9: memref<!tpu.dma_semaphore, #tpu.memory_space<semaphore_mem>>) attributes {dimension_semantics = [#tpu.dimension_semantics<core_parallel>, #tpu.dimension_semantics<subcore_parallel>], iteration_bounds = array<i64: 2, 16>, scalar_prefetch = 0 : i64, scratch_operands = 5 : i64, tpu.core_type = #tpu.core_type<sc_vector_subcore>, window_params = [{transform_indices = #map}, {transform_indices = #map1}, {transform_indices = #map}]} {
    %mul3A = arith.constant 2 : i32
    %mul3A_0 = arith.muli %arg1, %mul3A : i32
    %add3A = arith.addi %mul3A_0, %arg0 : i32
    %mul3A_1 = arith.constant 312 : i32
    %mul3A_2 = arith.muli %add3A, %mul3A_1 : i32
    %add3A_3 = arith.constant 0 : i32
    %add3A_4 = arith.addi %mul3A_2, %add3A_3 : i32
    "tpu.region"() ({
      %run_scoped3A = tpu.sem_alloc : memref<!tpu.dma_semaphore, #tpu.memory_space<semaphore_mem>>
      %dma_start3A_31 = tpu.memref_slice %arg3[%add3A_4] : memref<10000xi32, #tpu.memory_space<hbm>> -> memref<104xi32, #tpu.memory_space<hbm>>
      %dma_start3A_32 = tpu.memref_slice %arg3[%add3A_4] : memref<10000xi32, #tpu.memory_space<hbm>> -> memref<104xi32, #tpu.memory_space<hbm>>
      tpu.enqueue_dma source(%dma_start3A_32 : memref<104xi32, #tpu.memory_space<hbm>>) target(%arg5 : memref<104xi32, #tpu.memory_space<vmem>>) target_semaphore(%run_scoped3A : memref<!tpu.dma_semaphore, #tpu.memory_space<semaphore_mem>>)
      %dma_wait3A_33 = tpu.memref_slice %arg3[%add3A_4] : memref<10000xi32, #tpu.memory_space<hbm>> -> memref<104xi32, #tpu.memory_space<hbm>>
      %dma_wait3A_34 = tpu.memref_slice %arg3[%add3A_4] : memref<10000xi32, #tpu.memory_space<hbm>> -> memref<104xi32, #tpu.memory_space<hbm>>
      tpu.wait_dma2 semaphore(%run_scoped3A : memref<!tpu.dma_semaphore, #tpu.memory_space<semaphore_mem>>) src(%dma_wait3A_34 : memref<104xi32, #tpu.memory_space<hbm>>) dst(%arg5 : memref<104xi32, #tpu.memory_space<vmem>>)
      tpu.yield
    }) : () -> ()
    %dma_start3A = arith.constant 0 : i32
    %dma_start3A_5 = arith.constant 0 : i32
    %dma_start3A_6 = tpu.memref_slice %arg2[%dma_start3A, %dma_start3A_5] : memref<10000x128xf32, #tpu.memory_space<hbm>> -> memref<10000x128xf32, #tpu.memory_space<hbm>>
    tpu.enqueue_indirect_dma source(%dma_start3A_6 : memref<10000x128xf32, #tpu.memory_space<hbm>>) target(%arg6 : memref<104x128xf32, #tpu.memory_space<vmem>>) offsets(%arg5 : memref<104xi32, #tpu.memory_space<vmem>>) semaphore(%arg9 : memref<!tpu.dma_semaphore, #tpu.memory_space<semaphore_mem>>)
    %dma_wait3A = arith.constant 0 : i32
    %dma_wait3A_7 = arith.constant 0 : i32
    %dma_wait3A_8 = tpu.memref_slice %arg2[%dma_wait3A, %dma_wait3A_7] : memref<10000x128xf32, #tpu.memory_space<hbm>> -> memref<10000x128xf32, #tpu.memory_space<hbm>>
    tpu.wait_indirect_dma semaphore(%arg9 : memref<!tpu.dma_semaphore, #tpu.memory_space<semaphore_mem>>) src(%dma_wait3A_8 : memref<10000x128xf32, #tpu.memory_space<hbm>>) dst(%arg6 : memref<104x128xf32, #tpu.memory_space<vmem>>)
    "tpu.region"() ({
      %run_scoped3A = tpu.sem_alloc : memref<!tpu.dma_semaphore, #tpu.memory_space<semaphore_mem>>
      %dma_start3A_31 = arith.constant 0 : i32
      %dma_start3A_32 = tpu.memref_slice %arg4[%add3A_4, %dma_start3A_31] : memref<10000x128xf32, #tpu.memory_space<hbm>> -> memref<104x128xf32, #tpu.memory_space<hbm>>
      %dma_start3A_33 = arith.constant 0 : i32
      %dma_start3A_34 = tpu.memref_slice %arg4[%add3A_4, %dma_start3A_33] : memref<10000x128xf32, #tpu.memory_space<hbm>> -> memref<104x128xf32, #tpu.memory_space<hbm>>
      tpu.enqueue_dma source(%arg6 : memref<104x128xf32, #tpu.memory_space<vmem>>) target(%dma_start3A_34 : memref<104x128xf32, #tpu.memory_space<hbm>>) target_semaphore(%run_scoped3A : memref<!tpu.dma_semaphore, #tpu.memory_space<semaphore_mem>>)
      %dma_wait3A_35 = arith.constant 0 : i32
      %dma_wait3A_36 = tpu.memref_slice %arg4[%add3A_4, %dma_wait3A_35] : memref<10000x128xf32, #tpu.memory_space<hbm>> -> memref<104x128xf32, #tpu.memory_space<hbm>>
      %dma_wait3A_37 = arith.constant 0 : i32
      %dma_wait3A_38 = tpu.memref_slice %arg4[%add3A_4, %dma_wait3A_37] : memref<10000x128xf32, #tpu.memory_space<hbm>> -> memref<104x128xf32, #tpu.memory_space<hbm>>
      tpu.wait_dma2 semaphore(%run_scoped3A : memref<!tpu.dma_semaphore, #tpu.memory_space<semaphore_mem>>) src(%arg6 : memref<104x128xf32, #tpu.memory_space<vmem>>) dst(%dma_wait3A_38 : memref<104x128xf32, #tpu.memory_space<hbm>>)
      tpu.yield
    }) : () -> ()
    %mul3A_9 = arith.constant 312 : i32
    %mul3A_10 = arith.muli %add3A, %mul3A_9 : i32
    %add3A_11 = arith.constant 104 : i32
    %add3A_12 = arith.addi %mul3A_10, %add3A_11 : i32
    "tpu.region"() ({
      %run_scoped3A = tpu.sem_alloc : memref<!tpu.dma_semaphore, #tpu.memory_space<semaphore_mem>>
      %dma_start3A_31 = tpu.memref_slice %arg3[%add3A_12] : memref<10000xi32, #tpu.memory_space<hbm>> -> memref<104xi32, #tpu.memory_space<hbm>>
      %dma_start3A_32 = tpu.memref_slice %arg3[%add3A_12] : memref<10000xi32, #tpu.memory_space<hbm>> -> memref<104xi32, #tpu.memory_space<hbm>>
      tpu.enqueue_dma source(%dma_start3A_32 : memref<104xi32, #tpu.memory_space<hbm>>) target(%arg5 : memref<104xi32, #tpu.memory_space<vmem>>) target_semaphore(%run_scoped3A : memref<!tpu.dma_semaphore, #tpu.memory_space<semaphore_mem>>)
      %dma_wait3A_33 = tpu.memref_slice %arg3[%add3A_12] : memref<10000xi32, #tpu.memory_space<hbm>> -> memref<104xi32, #tpu.memory_space<hbm>>
      %dma_wait3A_34 = tpu.memref_slice %arg3[%add3A_12] : memref<10000xi32, #tpu.memory_space<hbm>> -> memref<104xi32, #tpu.memory_space<hbm>>
      tpu.wait_dma2 semaphore(%run_scoped3A : memref<!tpu.dma_semaphore, #tpu.memory_space<semaphore_mem>>) src(%dma_wait3A_34 : memref<104xi32, #tpu.memory_space<hbm>>) dst(%arg5 : memref<104xi32, #tpu.memory_space<vmem>>)
      tpu.yield
    }) : () -> ()
    %dma_start3A_13 = arith.constant 0 : i32
    %dma_start3A_14 = arith.constant 0 : i32
    %dma_start3A_15 = tpu.memref_slice %arg2[%dma_start3A_13, %dma_start3A_14] : memref<10000x128xf32, #tpu.memory_space<hbm>> -> memref<10000x128xf32, #tpu.memory_space<hbm>>
    tpu.enqueue_indirect_dma source(%dma_start3A_15 : memref<10000x128xf32, #tpu.memory_space<hbm>>) target(%arg6 : memref<104x128xf32, #tpu.memory_space<vmem>>) offsets(%arg5 : memref<104xi32, #tpu.memory_space<vmem>>) semaphore(%arg9 : memref<!tpu.dma_semaphore, #tpu.memory_space<semaphore_mem>>)
    %dma_wait3A_16 = arith.constant 0 : i32
    %dma_wait3A_17 = arith.constant 0 : i32
    %dma_wait3A_18 = tpu.memref_slice %arg2[%dma_wait3A_16, %dma_wait3A_17] : memref<10000x128xf32, #tpu.memory_space<hbm>> -> memref<10000x128xf32, #tpu.memory_space<hbm>>
    tpu.wait_indirect_dma semaphore(%arg9 : memref<!tpu.dma_semaphore, #tpu.memory_space<semaphore_mem>>) src(%dma_wait3A_18 : memref<10000x128xf32, #tpu.memory_space<hbm>>) dst(%arg6 : memref<104x128xf32, #tpu.memory_space<vmem>>)
    "tpu.region"() ({
      %run_scoped3A = tpu.sem_alloc : memref<!tpu.dma_semaphore, #tpu.memory_space<semaphore_mem>>
      %dma_start3A_31 = arith.constant 0 : i32
      %dma_start3A_32 = tpu.memref_slice %arg4[%add3A_12, %dma_start3A_31] : memref<10000x128xf32, #tpu.memory_space<hbm>> -> memref<104x128xf32, #tpu.memory_space<hbm>>
      %dma_start3A_33 = arith.constant 0 : i32
      %dma_start3A_34 = tpu.memref_slice %arg4[%add3A_12, %dma_start3A_33] : memref<10000x128xf32, #tpu.memory_space<hbm>> -> memref<104x128xf32, #tpu.memory_space<hbm>>
      tpu.enqueue_dma source(%arg6 : memref<104x128xf32, #tpu.memory_space<vmem>>) target(%dma_start3A_34 : memref<104x128xf32, #tpu.memory_space<hbm>>) target_semaphore(%run_scoped3A : memref<!tpu.dma_semaphore, #tpu.memory_space<semaphore_mem>>)
      %dma_wait3A_35 = arith.constant 0 : i32
      %dma_wait3A_36 = tpu.memref_slice %arg4[%add3A_12, %dma_wait3A_35] : memref<10000x128xf32, #tpu.memory_space<hbm>> -> memref<104x128xf32, #tpu.memory_space<hbm>>
      %dma_wait3A_37 = arith.constant 0 : i32
      %dma_wait3A_38 = tpu.memref_slice %arg4[%add3A_12, %dma_wait3A_37] : memref<10000x128xf32, #tpu.memory_space<hbm>> -> memref<104x128xf32, #tpu.memory_space<hbm>>
      tpu.wait_dma2 semaphore(%run_scoped3A : memref<!tpu.dma_semaphore, #tpu.memory_space<semaphore_mem>>) src(%arg6 : memref<104x128xf32, #tpu.memory_space<vmem>>) dst(%dma_wait3A_38 : memref<104x128xf32, #tpu.memory_space<hbm>>)
      tpu.yield
    }) : () -> ()
    %mul3A_19 = arith.constant 312 : i32
    %mul3A_20 = arith.muli %add3A, %mul3A_19 : i32
    %add3A_21 = arith.constant 208 : i32
    %add3A_22 = arith.addi %mul3A_20, %add3A_21 : i32
    "tpu.region"() ({
      %run_scoped3A = tpu.sem_alloc : memref<!tpu.dma_semaphore, #tpu.memory_space<semaphore_mem>>
      %dma_start3A_31 = tpu.memref_slice %arg3[%add3A_22] : memref<10000xi32, #tpu.memory_space<hbm>> -> memref<104xi32, #tpu.memory_space<hbm>>
      %dma_start3A_32 = tpu.memref_slice %arg3[%add3A_22] : memref<10000xi32, #tpu.memory_space<hbm>> -> memref<104xi32, #tpu.memory_space<hbm>>
      tpu.enqueue_dma source(%dma_start3A_32 : memref<104xi32, #tpu.memory_space<hbm>>) target(%arg5 : memref<104xi32, #tpu.memory_space<vmem>>) target_semaphore(%run_scoped3A : memref<!tpu.dma_semaphore, #tpu.memory_space<semaphore_mem>>)
      %dma_wait3A_33 = tpu.memref_slice %arg3[%add3A_22] : memref<10000xi32, #tpu.memory_space<hbm>> -> memref<104xi32, #tpu.memory_space<hbm>>
      %dma_wait3A_34 = tpu.memref_slice %arg3[%add3A_22] : memref<10000xi32, #tpu.memory_space<hbm>> -> memref<104xi32, #tpu.memory_space<hbm>>
      tpu.wait_dma2 semaphore(%run_scoped3A : memref<!tpu.dma_semaphore, #tpu.memory_space<semaphore_mem>>) src(%dma_wait3A_34 : memref<104xi32, #tpu.memory_space<hbm>>) dst(%arg5 : memref<104xi32, #tpu.memory_space<vmem>>)
      tpu.yield
    }) : () -> ()
    %dma_start3A_23 = arith.constant 0 : i32
    %dma_start3A_24 = arith.constant 0 : i32
    %dma_start3A_25 = tpu.memref_slice %arg2[%dma_start3A_23, %dma_start3A_24] : memref<10000x128xf32, #tpu.memory_space<hbm>> -> memref<10000x128xf32, #tpu.memory_space<hbm>>
    tpu.enqueue_indirect_dma source(%dma_start3A_25 : memref<10000x128xf32, #tpu.memory_space<hbm>>) target(%arg6 : memref<104x128xf32, #tpu.memory_space<vmem>>) offsets(%arg5 : memref<104xi32, #tpu.memory_space<vmem>>) semaphore(%arg9 : memref<!tpu.dma_semaphore, #tpu.memory_space<semaphore_mem>>)
    %dma_wait3A_26 = arith.constant 0 : i32
    %dma_wait3A_27 = arith.constant 0 : i32
    %dma_wait3A_28 = tpu.memref_slice %arg2[%dma_wait3A_26, %dma_wait3A_27] : memref<10000x128xf32, #tpu.memory_space<hbm>> -> memref<10000x128xf32, #tpu.memory_space<hbm>>
    tpu.wait_indirect_dma semaphore(%arg9 : memref<!tpu.dma_semaphore, #tpu.memory_space<semaphore_mem>>) src(%dma_wait3A_28 : memref<10000x128xf32, #tpu.memory_space<hbm>>) dst(%arg6 : memref<104x128xf32, #tpu.memory_space<vmem>>)
    "tpu.region"() ({
      %run_scoped3A = tpu.sem_alloc : memref<!tpu.dma_semaphore, #tpu.memory_space<semaphore_mem>>
      %dma_start3A_31 = arith.constant 0 : i32
      %dma_start3A_32 = tpu.memref_slice %arg4[%add3A_22, %dma_start3A_31] : memref<10000x128xf32, #tpu.memory_space<hbm>> -> memref<104x128xf32, #tpu.memory_space<hbm>>
      %dma_start3A_33 = arith.constant 0 : i32
      %dma_start3A_34 = tpu.memref_slice %arg4[%add3A_22, %dma_start3A_33] : memref<10000x128xf32, #tpu.memory_space<hbm>> -> memref<104x128xf32, #tpu.memory_space<hbm>>
      tpu.enqueue_dma source(%arg6 : memref<104x128xf32, #tpu.memory_space<vmem>>) target(%dma_start3A_34 : memref<104x128xf32, #tpu.memory_space<hbm>>) target_semaphore(%run_scoped3A : memref<!tpu.dma_semaphore, #tpu.memory_space<semaphore_mem>>)
      %dma_wait3A_35 = arith.constant 0 : i32
      %dma_wait3A_36 = tpu.memref_slice %arg4[%add3A_22, %dma_wait3A_35] : memref<10000x128xf32, #tpu.memory_space<hbm>> -> memref<104x128xf32, #tpu.memory_space<hbm>>
      %dma_wait3A_37 = arith.constant 0 : i32
      %dma_wait3A_38 = tpu.memref_slice %arg4[%add3A_22, %dma_wait3A_37] : memref<10000x128xf32, #tpu.memory_space<hbm>> -> memref<104x128xf32, #tpu.memory_space<hbm>>
      tpu.wait_dma2 semaphore(%run_scoped3A : memref<!tpu.dma_semaphore, #tpu.memory_space<semaphore_mem>>) src(%arg6 : memref<104x128xf32, #tpu.memory_space<vmem>>) dst(%dma_wait3A_38 : memref<104x128xf32, #tpu.memory_space<hbm>>)
      tpu.yield
    }) : () -> ()
    %eq3A = arith.constant 0 : i32
    %eq3A_29 = arith.cmpi eq, %add3A, %eq3A : i32
    %convert_element_type3A = arith.extui %eq3A_29 : i1 to i32
    %cond3A = arith.constant 0 : i32
    %cond3A_30 = arith.cmpi ne, %convert_element_type3A, %cond3A : i32
    scf.if %cond3A_30 {
      "tpu.region"() ({
        %run_scoped3A = tpu.sem_alloc : memref<!tpu.dma_semaphore, #tpu.memory_space<semaphore_mem>>
        %dma_start3A_37 = arith.constant 9984 : i32
        %dma_start3A_38 = tpu.memref_slice %arg3[%dma_start3A_37] : memref<10000xi32, #tpu.memory_space<hbm>> -> memref<16xi32, #tpu.memory_space<hbm>>
        %dma_start3A_39 = arith.constant 9984 : i32
        %dma_start3A_40 = tpu.memref_slice %arg3[%dma_start3A_39] : memref<10000xi32, #tpu.memory_space<hbm>> -> memref<16xi32, #tpu.memory_space<hbm>>
        tpu.enqueue_dma source(%dma_start3A_40 : memref<16xi32, #tpu.memory_space<hbm>>) target(%arg7 : memref<16xi32, #tpu.memory_space<vmem>>) target_semaphore(%run_scoped3A : memref<!tpu.dma_semaphore, #tpu.memory_space<semaphore_mem>>)
        %dma_wait3A_41 = arith.constant 9984 : i32
        %dma_wait3A_42 = tpu.memref_slice %arg3[%dma_wait3A_41] : memref<10000xi32, #tpu.memory_space<hbm>> -> memref<16xi32, #tpu.memory_space<hbm>>
        %dma_wait3A_43 = arith.constant 9984 : i32
        %dma_wait3A_44 = tpu.memref_slice %arg3[%dma_wait3A_43] : memref<10000xi32, #tpu.memory_space<hbm>> -> memref<16xi32, #tpu.memory_space<hbm>>
        tpu.wait_dma2 semaphore(%run_scoped3A : memref<!tpu.dma_semaphore, #tpu.memory_space<semaphore_mem>>) src(%dma_wait3A_44 : memref<16xi32, #tpu.memory_space<hbm>>) dst(%arg7 : memref<16xi32, #tpu.memory_space<vmem>>)
        tpu.yield
      }) : () -> ()
      %dma_start3A_31 = arith.constant 0 : i32
      %dma_start3A_32 = arith.constant 0 : i32
      %dma_start3A_33 = tpu.memref_slice %arg2[%dma_start3A_31, %dma_start3A_32] : memref<10000x128xf32, #tpu.memory_space<hbm>> -> memref<10000x128xf32, #tpu.memory_space<hbm>>
      tpu.enqueue_indirect_dma source(%dma_start3A_33 : memref<10000x128xf32, #tpu.memory_space<hbm>>) target(%arg8 : memref<16x128xf32, #tpu.memory_space<vmem>>) offsets(%arg7 : memref<16xi32, #tpu.memory_space<vmem>>) semaphore(%arg9 : memref<!tpu.dma_semaphore, #tpu.memory_space<semaphore_mem>>)
      %dma_wait3A_34 = arith.constant 0 : i32
      %dma_wait3A_35 = arith.constant 0 : i32
      %dma_wait3A_36 = tpu.memref_slice %arg2[%dma_wait3A_34, %dma_wait3A_35] : memref<10000x128xf32, #tpu.memory_space<hbm>> -> memref<10000x128xf32, #tpu.memory_space<hbm>>
      tpu.wait_indirect_dma semaphore(%arg9 : memref<!tpu.dma_semaphore, #tpu.memory_space<semaphore_mem>>) src(%dma_wait3A_36 : memref<10000x128xf32, #tpu.memory_space<hbm>>) dst(%arg8 : memref<16x128xf32, #tpu.memory_space<vmem>>)
      "tpu.region"() ({
        %run_scoped3A = tpu.sem_alloc : memref<!tpu.dma_semaphore, #tpu.memory_space<semaphore_mem>>
        %dma_start3A_37 = arith.constant 9984 : i32
        %dma_start3A_38 = arith.constant 0 : i32
        %dma_start3A_39 = tpu.memref_slice %arg4[%dma_start3A_37, %dma_start3A_38] : memref<10000x128xf32, #tpu.memory_space<hbm>> -> memref<16x128xf32, #tpu.memory_space<hbm>>
        %dma_start3A_40 = arith.constant 9984 : i32
        %dma_start3A_41 = arith.constant 0 : i32
        %dma_start3A_42 = tpu.memref_slice %arg4[%dma_start3A_40, %dma_start3A_41] : memref<10000x128xf32, #tpu.memory_space<hbm>> -> memref<16x128xf32, #tpu.memory_space<hbm>>
        tpu.enqueue_dma source(%arg8 : memref<16x128xf32, #tpu.memory_space<vmem>>) target(%dma_start3A_42 : memref<16x128xf32, #tpu.memory_space<hbm>>) target_semaphore(%run_scoped3A : memref<!tpu.dma_semaphore, #tpu.memory_space<semaphore_mem>>)
        %dma_wait3A_43 = arith.constant 9984 : i32
        %dma_wait3A_44 = arith.constant 0 : i32
        %dma_wait3A_45 = tpu.memref_slice %arg4[%dma_wait3A_43, %dma_wait3A_44] : memref<10000x128xf32, #tpu.memory_space<hbm>> -> memref<16x128xf32, #tpu.memory_space<hbm>>
        %dma_wait3A_46 = arith.constant 9984 : i32
        %dma_wait3A_47 = arith.constant 0 : i32
        %dma_wait3A_48 = tpu.memref_slice %arg4[%dma_wait3A_46, %dma_wait3A_47] : memref<10000x128xf32, #tpu.memory_space<hbm>> -> memref<16x128xf32, #tpu.memory_space<hbm>>
        tpu.wait_dma2 semaphore(%run_scoped3A : memref<!tpu.dma_semaphore, #tpu.memory_space<semaphore_mem>>) src(%arg8 : memref<16x128xf32, #tpu.memory_space<vmem>>) dst(%dma_wait3A_48 : memref<16x128xf32, #tpu.memory_space<hbm>>)
        tpu.yield
      }) : () -> ()
    } else {
    }
    return
  }
}

module attributes {stable_mosaic.version = 14 : i64} {
  func.func @_nodevec_body(%arg0: memref<10000x32xf32, #tpu.memory_space<vmem>>, %arg1: memref<10000x32xf32, #tpu.memory_space<vmem>>, %arg2: memref<32x32xf32, #tpu.memory_space<vmem>>, %arg3: memref<1x32xf32, #tpu.memory_space<vmem>>, %arg4: memref<32x32xf32, #tpu.memory_space<vmem>>, %arg5: memref<1x32xf32, #tpu.memory_space<vmem>>, %arg6: memref<10000x64xf32, #tpu.memory_space<vmem>>, %arg7: memref<10000x64xf32, #tpu.memory_space<vmem>>) attributes {dimension_semantics = [], scalar_prefetch = 0 : i64, scratch_operands = 0 : i64, tpu.core_type = #tpu.core_type<tc>} {
    %get3A = arith.constant 0 : index
    %get3A_0 = arith.constant 0 : index
    %get3A_1 = vector.load %arg0[%get3A, %get3A_0] : memref<10000x32xf32, #tpu.memory_space<vmem>>, vector<10000x32xf32>
    %get3A_2 = arith.constant 0 : index
    %get3A_3 = arith.constant 0 : index
    %get3A_4 = vector.load %arg2[%get3A_2, %get3A_3] : memref<32x32xf32, #tpu.memory_space<vmem>>, vector<32x32xf32>
    %dot_general3A = arith.constant dense<0.000000e+00> : vector<10000x32xf32>
    %dot_general3A_5 = tpu.matmul %get3A_1, %get3A_4, %dot_general3A {dimension_numbers = #tpu.dot_dimension_numbers<[1], [1], [0], [0], [0, 0, 1, 0], [], []>, transpose_lhs_hint = false} : vector<10000x32xf32>, vector<32x32xf32>, vector<10000x32xf32> -> vector<10000x32xf32>
    %get3A_6 = arith.constant 0 : index
    %get3A_7 = arith.constant 0 : index
    %get3A_8 = vector.load %arg1[%get3A_6, %get3A_7] : memref<10000x32xf32, #tpu.memory_space<vmem>>, vector<10000x32xf32>
    %get3A_9 = arith.constant 0 : index
    %get3A_10 = arith.constant 0 : index
    %get3A_11 = vector.load %arg4[%get3A_9, %get3A_10] : memref<32x32xf32, #tpu.memory_space<vmem>>, vector<32x32xf32>
    %dot_general3A_12 = arith.constant dense<0.000000e+00> : vector<10000x32xf32>
    %dot_general3A_13 = tpu.matmul %get3A_8, %get3A_11, %dot_general3A_12 {dimension_numbers = #tpu.dot_dimension_numbers<[1], [1], [0], [0], [0, 0, 1, 0], [], []>, transpose_lhs_hint = false} : vector<10000x32xf32>, vector<32x32xf32>, vector<10000x32xf32> -> vector<10000x32xf32>
    %get3A_14 = arith.constant 0 : index
    %get3A_15 = arith.constant 0 : index
    %get3A_16 = vector.load %arg3[%get3A_14, %get3A_15] : memref<1x32xf32, #tpu.memory_space<vmem>>, vector<1x32xf32>
    %add3A = vector.broadcast %get3A_16 : vector<1x32xf32> to vector<10000x32xf32>
    %add3A_17 = arith.addf %dot_general3A_5, %add3A : vector<10000x32xf32>
    %mul3A = arith.constant 3.000000e+00 : f32
    %mul3A_18 = vector.broadcast %mul3A : f32 to vector<10000x32xf32>
    %mul3A_19 = arith.mulf %mul3A_18, %add3A_17 : vector<10000x32xf32>
    %tanh3A = math.tanh %mul3A_19 : vector<10000x32xf32>
    %get3A_20 = arith.constant 0 : index
    %get3A_21 = arith.constant 0 : index
    %get3A_22 = vector.load %arg5[%get3A_20, %get3A_21] : memref<1x32xf32, #tpu.memory_space<vmem>>, vector<1x32xf32>
    %add3A_23 = vector.broadcast %get3A_22 : vector<1x32xf32> to vector<10000x32xf32>
    %add3A_24 = arith.addf %dot_general3A_13, %add3A_23 : vector<10000x32xf32>
    %mul3A_25 = arith.constant 3.000000e+00 : f32
    %mul3A_26 = vector.broadcast %mul3A_25 : f32 to vector<10000x32xf32>
    %mul3A_27 = arith.mulf %mul3A_26, %add3A_24 : vector<10000x32xf32>
    %tanh3A_28 = math.tanh %mul3A_27 : vector<10000x32xf32>
    %neg3A = arith.constant 0.000000e+00 : f32
    %neg3A_29 = vector.broadcast %neg3A : f32 to vector<10000x32xf32>
    %neg3A_30 = arith.subf %neg3A_29, %tanh3A_28 : vector<10000x32xf32>
    %concatenate3A = tpu.concatenate %tanh3A, %neg3A_30 in 1 : vector<10000x32xf32>, vector<10000x32xf32> -> vector<10000x64xf32>
    %swap3A = arith.constant 0 : index
    %swap3A_31 = arith.constant 0 : index
    %swap3A_32 = vector.load %arg6[%swap3A, %swap3A_31] : memref<10000x64xf32, #tpu.memory_space<vmem>>, vector<10000x64xf32>
    tpu.vector_store %arg6[%swap3A, %swap3A_31], %concatenate3A {strides = array<i32>} : memref<10000x64xf32, #tpu.memory_space<vmem>>, vector<10000x64xf32>,
    %concatenate3A_33 = tpu.concatenate %tanh3A_28, %tanh3A in 1 : vector<10000x32xf32>, vector<10000x32xf32> -> vector<10000x64xf32>
    %swap3A_34 = arith.constant 0 : index
    %swap3A_35 = arith.constant 0 : index
    %swap3A_36 = vector.load %arg7[%swap3A_34, %swap3A_35] : memref<10000x64xf32, #tpu.memory_space<vmem>>, vector<10000x64xf32>
    tpu.vector_store %arg7[%swap3A_34, %swap3A_35], %concatenate3A_33 {strides = array<i32>} : memref<10000x64xf32, #tpu.memory_space<vmem>>, vector<10000x64xf32>,
    return
  }
}

module attributes {stable_mosaic.version = 14 : i64} {
  func.func @_adj_body(%arg0: i32, %arg1: memref<200x64xf32, #tpu.memory_space<vmem>>, %arg2: memref<10000x64xf32, #tpu.memory_space<vmem>>, %arg3: memref<10000x100xbf16, #tpu.memory_space<vmem>>, %arg4: memref<10000x100xbf16, #tpu.memory_space<vmem>>, %arg5: memref<100x100xf32, #tpu.memory_space<vmem>>, %arg6: memref<100x100xf32, #tpu.memory_space<vmem>>, %arg7: memref<1x10000xi32, #tpu.memory_space<vmem>>, %arg8: memref<1x10000xi32, #tpu.memory_space<vmem>>, %arg9: memref<200x10000xf32, #tpu.memory_space<vmem>>) attributes {dimension_semantics = [#tpu.dimension_semantics<arbitrary>], iteration_bounds = array<i64: 50>, scalar_prefetch = 0 : i64, scratch_operands = 0 : i64, tpu.core_type = #tpu.core_type<tc>, window_params = [{transform_indices = @transform_0, window_bounds = array<i64: 200, 64>}, {pipeline_mode = #tpu.pipeline_mode<synchronous>, transform_indices = @transform_1, window_bounds = array<i64: 10000, 64>}, {pipeline_mode = #tpu.pipeline_mode<synchronous>, transform_indices = @transform_2, window_bounds = array<i64: 10000, 100>}, {pipeline_mode = #tpu.pipeline_mode<synchronous>, transform_indices = @transform_3, window_bounds = array<i64: 10000, 100>}, {pipeline_mode = #tpu.pipeline_mode<synchronous>, transform_indices = @transform_4, window_bounds = array<i64: 100, 100>}, {pipeline_mode = #tpu.pipeline_mode<synchronous>, transform_indices = @transform_5, window_bounds = array<i64: 100, 100>}, {pipeline_mode = #tpu.pipeline_mode<synchronous>, transform_indices = @transform_6, window_bounds = array<i64: 1, 10000>}, {pipeline_mode = #tpu.pipeline_mode<synchronous>, transform_indices = @transform_7, window_bounds = array<i64: 1, 10000>}, {transform_indices = @transform_8, window_bounds = array<i64: 200, 10000>}]} {
    %get3A = arith.constant 0 : index
    %get3A_0 = arith.constant 0 : index
    %get3A_1 = vector.load %arg1[%get3A, %get3A_0] : memref<200x64xf32, #tpu.memory_space<vmem>>, vector<200x64xf32>
    %get3A_2 = arith.constant 0 : index
    %get3A_3 = arith.constant 0 : index
    %get3A_4 = vector.load %arg2[%get3A_2, %get3A_3] : memref<10000x64xf32, #tpu.memory_space<vmem>>, vector<10000x64xf32>
    %dot_general3A = arith.constant dense<0.000000e+00> : vector<200x10000xf32>
    %dot_general3A_5 = tpu.matmul %get3A_1, %get3A_4, %dot_general3A {dimension_numbers = #tpu.dot_dimension_numbers<[1], [1], [0], [0], [0, 0, 1, 0], [], []>, transpose_lhs_hint = false} : vector<200x64xf32>, vector<10000x64xf32>, vector<200x10000xf32> -> vector<200x10000xf32>
    %gt3A = arith.constant 0.000000e+00 : f32
    %gt3A_6 = vector.broadcast %gt3A : f32 to vector<200x10000xf32>
    %gt3A_7 = arith.cmpf ogt, %dot_general3A_5, %gt3A_6 : vector<200x10000xf32>
    %mul3A = arith.constant 3.000000e+00 : f32
    %mul3A_8 = vector.broadcast %mul3A : f32 to vector<200x10000xf32>
    %mul3A_9 = arith.mulf %mul3A_8, %dot_general3A_5 : vector<200x10000xf32>
    %tanh3A = math.tanh %mul3A_9 : vector<200x10000xf32>
    %jit3A = arith.constant 0.000000e+00 : f32
    %broadcast_in_dim3A = vector.broadcast %jit3A : f32 to vector<200x10000xf32>
    %select_n3A = arith.select %gt3A_7, %tanh3A, %broadcast_in_dim3A : vector<200x10000xi1>, vector<200x10000xf32>
    %reduce_max3A = arith.constant dense<0xFF800000> : vector<200xf32>
    %reduce_max3A_10 = vector.multi_reduction <maximumf>, %select_n3A, %reduce_max3A [1] : vector<200x10000xf32> to vector<200xf32>
    %broadcast_in_dim3A_11 = vector.shape_cast %reduce_max3A_10 : vector<200xf32> to vector<200x1xf32>
    %ge3A = vector.broadcast %broadcast_in_dim3A_11 : vector<200x1xf32> to vector<200x10000xf32>
    %ge3A_12 = arith.cmpf oge, %select_n3A, %ge3A : vector<200x10000xf32>
    %convert_element_type3A = arith.extui %ge3A_12 : vector<200x10000xi1> to vector<200x10000xi32>
    %convert_element_type3A_13 = arith.sitofp %convert_element_type3A : vector<200x10000xi32> to vector<200x10000xf32>
    %reduce_sum3A = arith.constant dense<0.000000e+00> : vector<200xf32>
    %reduce_sum3A_14 = vector.multi_reduction <add>, %convert_element_type3A_13, %reduce_sum3A [1] : vector<200x10000xf32> to vector<200xf32>
    %broadcast_in_dim3A_15 = vector.shape_cast %reduce_sum3A_14 : vector<200xf32> to vector<200x1xf32>
    %ge3A_16 = arith.constant 2.000000e+01 : f32
    %ge3A_17 = vector.broadcast %ge3A_16 : f32 to vector<200x1xf32>
    %ge3A_18 = arith.cmpf oge, %broadcast_in_dim3A_15, %ge3A_17 : vector<200x1xf32>
    %jit3A_19 = arith.constant 0.000000e+00 : f32
    %broadcast_in_dim3A_20 = vector.broadcast %jit3A_19 : f32 to vector<200x1xf32>
    %select_n3A_21 = arith.select %ge3A_18, %broadcast_in_dim3A_11, %broadcast_in_dim3A_20 : vector<200x1xi1>, vector<200x1xf32>
    %jit3A_22 = arith.constant 2.000000e+01 : f32
    %jit3A_23 = arith.constant 0.000000e+00 : f32
    %broadcast_in_dim3A_24 = vector.broadcast %jit3A_22 : f32 to vector<200x1xf32>
    %broadcast_in_dim3A_25 = vector.broadcast %jit3A_23 : f32 to vector<200x1xf32>
    %select_n3A_26 = arith.select %ge3A_18, %broadcast_in_dim3A_24, %broadcast_in_dim3A_25 : vector<200x1xi1>, vector<200x1xf32>
    %while3A = arith.constant 2.000000e+01 : f32
    %while3A_27 = arith.constant 2.000000e+01 : f32
    %while3A_28 = arith.constant 0 : i32
    %while3A_29:5 = scf.while (%while3A_110 = %broadcast_in_dim3A_15, %while3A_111 = %broadcast_in_dim3A_11, %while3A_112 = %select_n3A_21, %while3A_113 = %select_n3A_26, %while3A_114 = %while3A_28) : (vector<200x1xf32>, vector<200x1xf32>, vector<200x1xf32>, vector<200x1xf32>, i32) -> (vector<200x1xf32>, vector<200x1xf32>, vector<200x1xf32>, vector<200x1xf32>, i32) {
      %lt3A_115 = vector.broadcast %while3A : f32 to vector<200x1xf32>
      %lt3A_116 = arith.cmpf olt, %while3A_110, %lt3A_115 : vector<200x1xf32>
      %reduce_or3A = arith.constant 1.000000e+00 : f32
      %reduce_or3A_117 = arith.constant 0.000000e+00 : f32
      %reduce_or3A_118 = vector.broadcast %reduce_or3A : f32 to vector<200x1xf32>
      %reduce_or3A_119 = vector.broadcast %reduce_or3A_117 : f32 to vector<200x1xf32>
      %reduce_or3A_120 = arith.select %lt3A_116, %reduce_or3A_118, %reduce_or3A_119 : vector<200x1xi1>, vector<200x1xf32>
      %reduce_or3A_121 = vector.shape_cast %reduce_or3A_120 : vector<200x1xf32> to vector<1x200x1xf32>
      %reduce_or3A_122 = arith.constant dense<0xFF800000> : vector<1xf32>
      %reduce_or3A_123 = vector.multi_reduction <maximumf>, %reduce_or3A_121, %reduce_or3A_122 [1, 2] : vector<1x200x1xf32> to vector<1xf32>
      %reduce_or3A_124 = vector.shape_cast %reduce_or3A_123 : vector<1xf32> to vector<1x1x1xf32>
      %reduce_or3A_125 = vector.extract %reduce_or3A_124[0, 0, 0] : f32 from vector<1x1x1xf32>
      %reduce_or3A_126 = arith.constant 0.000000e+00 : f32
      %reduce_or3A_127 = arith.cmpf ogt, %reduce_or3A_125, %reduce_or3A_126 : f32
      %lt3A_128 = arith.constant 20 : i32
      %lt3A_129 = arith.cmpi slt, %while3A_114, %lt3A_128 : i32
      %and3A_130 = arith.andi %reduce_or3A_127, %lt3A_129 : i1
      scf.condition(%and3A_130) %while3A_110, %while3A_111, %while3A_112, %while3A_113, %while3A_114 : vector<200x1xf32>, vector<200x1xf32>, vector<200x1xf32>, vector<200x1xf32>, i32
    } do {
    ^bb0(%while3A_110: vector<200x1xf32>, %while3A_111: vector<200x1xf32>, %while3A_112: vector<200x1xf32>, %while3A_113: vector<200x1xf32>, %while3A_114: i32):
      %lt3A_115 = vector.broadcast %while3A_111 : vector<200x1xf32> to vector<200x10000xf32>
      %lt3A_116 = arith.cmpf olt, %select_n3A, %lt3A_115 : vector<200x10000xf32>
      %jit3A_117 = arith.constant -3.000000e+38 : f32
      %broadcast_in_dim3A_118 = vector.broadcast %jit3A_117 : f32 to vector<200x10000xf32>
      %select_n3A_119 = arith.select %lt3A_116, %select_n3A, %broadcast_in_dim3A_118 : vector<200x10000xi1>, vector<200x10000xf32>
      %reduce_max3A_120 = arith.constant dense<0xFF800000> : vector<200xf32>
      %reduce_max3A_121 = vector.multi_reduction <maximumf>, %select_n3A_119, %reduce_max3A_120 [1] : vector<200x10000xf32> to vector<200xf32>
      %broadcast_in_dim3A_122 = vector.shape_cast %reduce_max3A_121 : vector<200xf32> to vector<200x1xf32>
      %eq3A_123 = vector.broadcast %broadcast_in_dim3A_122 : vector<200x1xf32> to vector<200x10000xf32>
      %eq3A_124 = arith.cmpf oeq, %select_n3A, %eq3A_123 : vector<200x10000xf32>
      %convert_element_type3A_125 = arith.extui %eq3A_124 : vector<200x10000xi1> to vector<200x10000xi32>
      %convert_element_type3A_126 = arith.sitofp %convert_element_type3A_125 : vector<200x10000xi32> to vector<200x10000xf32>
      %reduce_sum3A_127 = arith.constant dense<0.000000e+00> : vector<200xf32>
      %reduce_sum3A_128 = vector.multi_reduction <add>, %convert_element_type3A_126, %reduce_sum3A_127 [1] : vector<200x10000xf32> to vector<200xf32>
      %broadcast_in_dim3A_129 = vector.shape_cast %reduce_sum3A_128 : vector<200xf32> to vector<200x1xf32>
      %lt3A_130 = vector.broadcast %while3A_27 : f32 to vector<200x1xf32>
      %lt3A_131 = arith.cmpf olt, %while3A_110, %lt3A_130 : vector<200x1xf32>
      %add3A_132 = arith.addf %while3A_110, %broadcast_in_dim3A_129 : vector<200x1xf32>
      %ge3A_133 = vector.broadcast %while3A_27 : f32 to vector<200x1xf32>
      %ge3A_134 = arith.cmpf oge, %add3A_132, %ge3A_133 : vector<200x1xf32>
      %and3A_135 = arith.andi %lt3A_131, %ge3A_134 : vector<200x1xi1>
      %select_n3A_136 = arith.select %and3A_135, %broadcast_in_dim3A_122, %while3A_112 : vector<200x1xi1>, vector<200x1xf32>
      %sub3A_137 = vector.broadcast %while3A_27 : f32 to vector<200x1xf32>
      %sub3A_138 = arith.subf %sub3A_137, %while3A_110 : vector<200x1xf32>
      %select_n3A_139 = arith.select %and3A_135, %sub3A_138, %while3A_113 : vector<200x1xi1>, vector<200x1xf32>
      %select_n3A_140 = arith.select %lt3A_131, %broadcast_in_dim3A_122, %while3A_111 : vector<200x1xi1>, vector<200x1xf32>
      %jit3A_141 = arith.constant 0.000000e+00 : f32
      %broadcast_in_dim3A_142 = vector.broadcast %jit3A_141 : f32 to vector<200x1xf32>
      %select_n3A_143 = arith.select %lt3A_131, %broadcast_in_dim3A_129, %broadcast_in_dim3A_142 : vector<200x1xi1>, vector<200x1xf32>
      %add3A_144 = arith.addf %while3A_110, %select_n3A_143 : vector<200x1xf32>
      %add3A_145 = arith.constant 1 : i32
      %add3A_146 = arith.addi %while3A_114, %add3A_145 : i32
      scf.yield %add3A_144, %select_n3A_140, %select_n3A_136, %select_n3A_139, %add3A_146 : vector<200x1xf32>, vector<200x1xf32>, vector<200x1xf32>, vector<200x1xf32>, i32
    }
    %eq3A = vector.broadcast %while3A_29#2 : vector<200x1xf32> to vector<200x10000xf32>
    %eq3A_30 = arith.cmpf oeq, %select_n3A, %eq3A : vector<200x10000xf32>
    %convert_element_type3A_31 = arith.extui %eq3A_30 : vector<200x10000xi1> to vector<200x10000xi32>
    %convert_element_type3A_32 = arith.sitofp %convert_element_type3A_31 : vector<200x10000xi32> to vector<200x10000xf32>
    %convert_element_type3A_33 = arith.truncf %convert_element_type3A_32 : vector<200x10000xf32> to vector<200x10000xbf16>
    %get3A_34 = arith.constant 0 : index
    %get3A_35 = arith.constant 0 : index
    %get3A_36 = vector.load %arg4[%get3A_34, %get3A_35] : memref<10000x100xbf16, #tpu.memory_space<vmem>>, vector<10000x100xbf16>
    %dot_general3A_37 = arith.constant dense<0.000000e+00> : vector<200x100xf32>
    %dot_general3A_38 = tpu.matmul %convert_element_type3A_33, %get3A_36, %dot_general3A_37 {dimension_numbers = #tpu.dot_dimension_numbers<[1], [0], [0], [1], [0, 0, 1, 1], [], []>, transpose_lhs_hint = false} : vector<200x10000xbf16>, vector<10000x100xbf16>, vector<200x100xf32> -> vector<200x100xf32>
    %get3A_39 = arith.constant 0 : index
    %get3A_40 = arith.constant 0 : index
    %get3A_41 = vector.load %arg6[%get3A_39, %get3A_40] : memref<100x100xf32, #tpu.memory_space<vmem>>, vector<100x100xf32>
    %dot_general3A_42 = arith.constant dense<0.000000e+00> : vector<200x100xf32>
    %dot_general3A_43 = tpu.matmul %dot_general3A_38, %get3A_41, %dot_general3A_42 {dimension_numbers = #tpu.dot_dimension_numbers<[1], [0], [0], [1], [0, 0, 1, 1], [], []>, transpose_lhs_hint = false} : vector<200x100xf32>, vector<100x100xf32>, vector<200x100xf32> -> vector<200x100xf32>
    %lt3A = vector.broadcast %while3A_29#3 : vector<200x1xf32> to vector<200x100xf32>
    %lt3A_44 = arith.cmpf olt, %dot_general3A_43, %lt3A : vector<200x100xf32>
    %convert_element_type3A_45 = arith.extui %lt3A_44 : vector<200x100xi1> to vector<200x100xi32>
    %reduce_sum3A_46 = arith.constant dense<0> : vector<200xi32>
    %reduce_sum3A_47 = vector.multi_reduction <add>, %convert_element_type3A_45, %reduce_sum3A_46 [1] : vector<200x100xi32> to vector<200xi32>
    %broadcast_in_dim3A_48 = vector.shape_cast %reduce_sum3A_47 : vector<200xi32> to vector<200x1xi32>
    %sub3A = arith.constant 1 : i32
    %sub3A_49 = vector.broadcast %sub3A : i32 to vector<200x1xi32>
    %sub3A_50 = arith.subi %broadcast_in_dim3A_48, %sub3A_49 : vector<200x1xi32>
    %iota3A = tpu.iota {dimensions = array<i32: 1>} : vector<200x100xi32>
    %eq3A_51 = vector.broadcast %sub3A_50 : vector<200x1xi32> to vector<200x100xi32>
    %eq3A_52 = arith.cmpi eq, %iota3A, %eq3A_51 : vector<200x100xi32>
    %jit3A_53 = arith.constant 0.000000e+00 : f32
    %broadcast_in_dim3A_54 = vector.broadcast %jit3A_53 : f32 to vector<200x100xf32>
    %select_n3A_55 = arith.select %eq3A_52, %dot_general3A_43, %broadcast_in_dim3A_54 : vector<200x100xi1>, vector<200x100xf32>
    %reduce_sum3A_56 = arith.constant dense<0.000000e+00> : vector<200xf32>
    %reduce_sum3A_57 = vector.multi_reduction <add>, %select_n3A_55, %reduce_sum3A_56 [1] : vector<200x100xf32> to vector<200xf32>
    %broadcast_in_dim3A_58 = vector.shape_cast %reduce_sum3A_57 : vector<200xf32> to vector<200x1xf32>
    %sub3A_59 = arith.subf %while3A_29#3, %broadcast_in_dim3A_58 : vector<200x1xf32>
    %get3A_60 = arith.constant 0 : index
    %get3A_61 = arith.constant 0 : index
    %get3A_62 = vector.load %arg7[%get3A_60, %get3A_61] : memref<1x10000xi32, #tpu.memory_space<vmem>>, vector<1x10000xi32>
    %eq3A_63 = vector.broadcast %get3A_62 : vector<1x10000xi32> to vector<200x10000xi32>
    %eq3A_64 = vector.broadcast %sub3A_50 : vector<200x1xi32> to vector<200x10000xi32>
    %eq3A_65 = arith.cmpi eq, %eq3A_63, %eq3A_64 : vector<200x10000xi32>
    %jit3A_66 = arith.constant 0.000000e+00 : bf16
    %broadcast_in_dim3A_67 = vector.broadcast %jit3A_66 : bf16 to vector<200x10000xbf16>
    %select_n3A_68 = arith.select %eq3A_65, %convert_element_type3A_33, %broadcast_in_dim3A_67 : vector<200x10000xi1>, vector<200x10000xbf16>
    %get3A_69 = arith.constant 0 : index
    %get3A_70 = arith.constant 0 : index
    %get3A_71 = vector.load %arg3[%get3A_69, %get3A_70] : memref<10000x100xbf16, #tpu.memory_space<vmem>>, vector<10000x100xbf16>
    %dot_general3A_72 = arith.constant dense<0.000000e+00> : vector<200x100xf32>
    %dot_general3A_73 = tpu.matmul %select_n3A_68, %get3A_71, %dot_general3A_72 {dimension_numbers = #tpu.dot_dimension_numbers<[1], [0], [0], [1], [0, 0, 1, 1], [], []>, transpose_lhs_hint = false} : vector<200x10000xbf16>, vector<10000x100xbf16>, vector<200x100xf32> -> vector<200x100xf32>
    %get3A_74 = arith.constant 0 : index
    %get3A_75 = arith.constant 0 : index
    %get3A_76 = vector.load %arg5[%get3A_74, %get3A_75] : memref<100x100xf32, #tpu.memory_space<vmem>>, vector<100x100xf32>
    %dot_general3A_77 = arith.constant dense<0.000000e+00> : vector<200x100xf32>
    %dot_general3A_78 = tpu.matmul %dot_general3A_73, %get3A_76, %dot_general3A_77 {dimension_numbers = #tpu.dot_dimension_numbers<[1], [0], [0], [1], [0, 0, 1, 1], [], []>, transpose_lhs_hint = false} : vector<200x100xf32>, vector<100x100xf32>, vector<200x100xf32> -> vector<200x100xf32>
    %gt3A_79 = arith.constant 5.000000e-01 : f32
    %gt3A_80 = vector.broadcast %gt3A_79 : f32 to vector<200x100xf32>
    %gt3A_81 = arith.cmpf ogt, %dot_general3A_73, %gt3A_80 : vector<200x100xf32>
    %sub3A_82 = arith.constant 1.000000e+00 : f32
    %sub3A_83 = vector.broadcast %sub3A_82 : f32 to vector<200x1xf32>
    %sub3A_84 = arith.subf %sub3A_59, %sub3A_83 : vector<200x1xf32>
    %eq3A_85 = vector.broadcast %sub3A_84 : vector<200x1xf32> to vector<200x100xf32>
    %eq3A_86 = arith.cmpf oeq, %dot_general3A_78, %eq3A_85 : vector<200x100xf32>
    %and3A = arith.andi %gt3A_81, %eq3A_86 : vector<200x100xi1>
    %iota3A_87 = tpu.iota {dimensions = array<i32: 1>} : vector<200x100xi32>
    %jit3A_88 = arith.constant 0 : i32
    %broadcast_in_dim3A_89 = vector.broadcast %jit3A_88 : i32 to vector<200x100xi32>
    %select_n3A_90 = arith.select %and3A, %iota3A_87, %broadcast_in_dim3A_89 : vector<200x100xi1>, vector<200x100xi32>
    %reduce_sum3A_91 = arith.constant dense<0> : vector<200xi32>
    %reduce_sum3A_92 = vector.multi_reduction <add>, %select_n3A_90, %reduce_sum3A_91 [1] : vector<200x100xi32> to vector<200xi32>
    %broadcast_in_dim3A_93 = vector.shape_cast %reduce_sum3A_92 : vector<200xi32> to vector<200x1xi32>
    %mul3A_94 = arith.constant 100 : i32
    %mul3A_95 = vector.broadcast %mul3A_94 : i32 to vector<200x1xi32>
    %mul3A_96 = arith.muli %sub3A_50, %mul3A_95 : vector<200x1xi32>
    %add3A = arith.addi %mul3A_96, %broadcast_in_dim3A_93 : vector<200x1xi32>
    %gt3A_97 = vector.broadcast %while3A_29#2 : vector<200x1xf32> to vector<200x10000xf32>
    %gt3A_98 = arith.cmpf ogt, %select_n3A, %gt3A_97 : vector<200x10000xf32>
    %get3A_99 = arith.constant 0 : index
    %get3A_100 = arith.constant 0 : index
    %get3A_101 = vector.load %arg8[%get3A_99, %get3A_100] : memref<1x10000xi32, #tpu.memory_space<vmem>>, vector<1x10000xi32>
    %le3A = vector.broadcast %get3A_101 : vector<1x10000xi32> to vector<200x10000xi32>
    %le3A_102 = vector.broadcast %add3A : vector<200x1xi32> to vector<200x10000xi32>
    %le3A_103 = arith.cmpi sle, %le3A, %le3A_102 : vector<200x10000xi32>
    %and3A_104 = arith.andi %eq3A_30, %le3A_103 : vector<200x10000xi1>
    %or3A = arith.ori %gt3A_98, %and3A_104 : vector<200x10000xi1>
    %jit3A_105 = arith.constant 0.000000e+00 : f32
    %broadcast_in_dim3A_106 = vector.broadcast %jit3A_105 : f32 to vector<200x10000xf32>
    %select_n3A_107 = arith.select %or3A, %select_n3A, %broadcast_in_dim3A_106 : vector<200x10000xi1>, vector<200x10000xf32>
    %swap3A = arith.constant 0 : index
    %swap3A_108 = arith.constant 0 : index
    %swap3A_109 = vector.load %arg9[%swap3A, %swap3A_108] : memref<200x10000xf32, #tpu.memory_space<vmem>>, vector<200x10000xf32>
    tpu.vector_store %arg9[%swap3A, %swap3A_108], %select_n3A_107 {strides = array<i32>} : memref<200x10000xf32, #tpu.memory_space<vmem>>, vector<200x10000xf32>,
    return
  }
  func.func @transform_0(%arg0: i32) -> (i32, i32) {
    %c0_i32 = arith.constant 0 : i32
    %c0_i32_0 = arith.constant 0 : i32
    return %arg0, %c0_i32 : i32, i32
  }
  func.func @transform_1(%arg0: i32) -> (i32, i32) {
    %c0_i32 = arith.constant 0 : i32
    %c0_i32_0 = arith.constant 0 : i32
    %c0_i32_1 = arith.constant 0 : i32
    return %c0_i32, %c0_i32_0 : i32, i32
  }
  func.func @transform_2(%arg0: i32) -> (i32, i32) {
    %c0_i32 = arith.constant 0 : i32
    %c0_i32_0 = arith.constant 0 : i32
    %c0_i32_1 = arith.constant 0 : i32
    return %c0_i32, %c0_i32_0 : i32, i32
  }
  func.func @transform_3(%arg0: i32) -> (i32, i32) {
    %c0_i32 = arith.constant 0 : i32
    %c0_i32_0 = arith.constant 0 : i32
    %c0_i32_1 = arith.constant 0 : i32
    return %c0_i32, %c0_i32_0 : i32, i32
  }
  func.func @transform_4(%arg0: i32) -> (i32, i32) {
    %c0_i32 = arith.constant 0 : i32
    %c0_i32_0 = arith.constant 0 : i32
    %c0_i32_1 = arith.constant 0 : i32
    return %c0_i32, %c0_i32_0 : i32, i32
  }
  func.func @transform_5(%arg0: i32) -> (i32, i32) {
    %c0_i32 = arith.constant 0 : i32
    %c0_i32_0 = arith.constant 0 : i32
    %c0_i32_1 = arith.constant 0 : i32
    return %c0_i32, %c0_i32_0 : i32, i32
  }
  func.func @transform_6(%arg0: i32) -> (i32, i32) {
    %c0_i32 = arith.constant 0 : i32
    %c0_i32_0 = arith.constant 0 : i32
    %c0_i32_1 = arith.constant 0 : i32
    return %c0_i32, %c0_i32_0 : i32, i32
  }
  func.func @transform_7(%arg0: i32) -> (i32, i32) {
    %c0_i32 = arith.constant 0 : i32
    %c0_i32_0 = arith.constant 0 : i32
    %c0_i32_1 = arith.constant 0 : i32
    return %c0_i32, %c0_i32_0 : i32, i32
  }
  func.func @transform_8(%arg0: i32) -> (i32, i32) {
    %c0_i32 = arith.constant 0 : i32
    %c0_i32_0 = arith.constant 0 : i32
    return %arg0, %c0_i32 : i32, i32
  }
}

</mosaic_0001>

<sc_bundles>
// kernel: kernel.5.cloned.1.call-start
scs
__scs_entry_jumppad:
0x0: {  	(pc) =	sbr.rel $0x88, $3  }
0x1: {  	(tag) =	ssettag $0x0;
	lr =	simm.s32 $0x1  }
0x2: {  	[smem:$0x3F9A] =	sst lr;
	_ =	strace $0xD0000000  }
0x3: {  	_ = 	snop  }
0x4: {  	_ = 	snop  }
0x5: {  	_ = 	snop  }
0x6: {  	_ = 	snop  }
0x7: {  	_ = 	snop  }
__scs_overlays_trampoline_lowered:
0x8: {  	[smem:$0x3FA9] =	sst s0  }
0x9: {  	[smem:$0x3FAA] =	sst s1  }
0xa: {  	[smem:$0x3FAB] =	sst s2  }
0xb: {  	[smem:$0x3FAC] =	sst s3  }
0xc: {  	[smem:$0x3FAD] =	sst s4  }
0xd: {  	[smem:$0x3FAE] =	sst s5  }
0xe: {  	[smem:$0x3FAF] =	sst s6  }
0xf: {  	[smem:$0x3FB0] =	sst s7  }
0x10: {  	[smem:$0x3FB1] =	sst s8  }
0x11: {  	[smem:$0x3FB2] =	sst s9;
	s0 =	simm.s32 @!p0 $0x0  }
0x12: {  	s1 =	sld [smem:$0x3F98];
	s0 =	simm.s32 @p0 $0x1  }
0x13: {  	[smem:$0x3FB3] =	sst s0;
	s0 =	simm.s32 @!p1 $0x0  }
0x14: {  	s2 =	sld [smem:$0x3F97];
	s0 =	simm.s32 @p1 $0x1  }
0x15: {  	[smem:$0x3FB4] =	sst s0;
	s0 =	simm.s32 @!p2 $0x0  }
0x16: {  	s3 =	sld [smem:$0x3FDB];
	s0 =	simm.s32 @p2 $0x1  }
0x17: {  	s4 =	simm.s32 $0x1BF5;
	[smem:$0x3FB6] =	sst s0  }
0x18: {  	s0 =	sld [smem:$0x3F99];
	_ =	swait.ge [sflag:s4], $0x0  }
0x19: {  	s7 =	sld [smem:$0x3F9A]  }
0x1a: {  	s8 =	sadd.s32 $0xFFFFE003, lr  }
0x1b: {  	s9 =	sadd.s32 $0xFFFFFEF7, lr;
	s5 =	simm.s32 $0xFFFFFFFF;
	p2 =	slt.u32 s8, $0xFFFFF086  }
0x1c: {  	p1 =	slt.u32 s9, $0xF7A;
	s5 =	simm.s32 @!p2 $0x0  }
0x1d: {  	s5 =	simm.s32 @p1 $0x1;
	p0 =	seq.s32 s7, s2  }
0x1e: {  	s7 =	smul.u32 @!p0 $0xF7A, s2;
	p2 =	seq.s32 @!p0 s5, $0x0  }
0x1f: {  	s9 =	smul.u32 $0xF7A, s1;
	s8 =	simm.s32 @!p0 $0x1BF5;
	p2 =	por !p2, p0  }
0x20: {  	[sflag:s8] =	ssyncset.s32 @!p0 $0xFFFFF086;
	s6 =	sadd.s32 @!p0 s3, s7;
	s7 =	simm.s32 @!p0 $0x108  }
0x21: {  	s3 =	sadd.s32 s3, s9;
	s6 =	sadd.s32 @!p0 $0x88, s6;
	s7 =	simm.s32 @p2 $0x1082  }
0x22: {  	[simem:s7], [sflag:s8] =	dma.local @!p0 [hbm:s6], $0xF7A  }
0x23: {  	s9 =	sor.u32 $0xD0000000, s2;
	s6 =	simm.s32 $0x108;
	_ =	swait.ge @!p0 [sflag:s8], $0x0  }
0x24: {  	s3 =	sadd.s32 $0x88, s3;
	s6 =	simm.s32 @!p1 $0x1082;
	[sflag:s4] =	ssyncset.s32 $0xFFFFF086  }
0x25: {  	[simem:s6], [sflag:s4] =	dma.local [hbm:s3], $0xF7A  }
0x26: {  	[smem:$0x3F9A] =	sst s1;
	(tag) =	ssettag s2;
	_ =	strace s9  }
0x27: {  	s1 =	sld [smem:$0x3FAA]  }
0x28: {  	s2 =	sld [smem:$0x3FAB]  }
0x29: {  	s4 =	sld [smem:$0x3FAD]  }
0x2a: {  	p0 =	seq.s32 s5, $0x0;
	s5 =	sld [smem:$0x3FAE]  }
0x2b: {  	s6 =	sld [smem:$0x3FAF]  }
0x2c: {  	s7 =	sld [smem:$0x3FB0]  }
0x2d: {  	s3 =	simm.s32 $0x108;
	s8 =	sld [smem:$0x3FB1]  }
0x2e: {  	s3 =	simm.s32 @!p0 $0x1082;
	s9 =	sld [smem:$0x3FB2]  }
0x2f: {  	lr =	sadd.s32 s0, s3;
	s0 =	sld [smem:$0x3FA9]  }
0x30: {  	s3 =	sld [smem:$0x3FAC]  }
0x31: {  	[smem:$0x3FB5] =	sst s10  }
0x32: {  	s10 =	sld [smem:$0x3FB3];
	_ =	sdelay $0x3  }
0x33: {  	p0 =	seq.s32 s10, $0x1;
	s10 =	sld [smem:$0x3FB5];
	_ =	sdelay $0x3  }
0x34: {  	[smem:$0x3FB5] =	sst s10  }
0x35: {  	s10 =	sld [smem:$0x3FB4];
	_ =	sdelay $0x3  }
0x36: {  	p1 =	seq.s32 s10, $0x1;
	s10 =	sld [smem:$0x3FB5];
	_ =	sdelay $0x3  }
0x37: {  	[smem:$0x3FB5] =	sst s10  }
0x38: {  	s10 =	sld [smem:$0x3FB6]  }
0x39: {  	_ = 	snop;
	(pc) =	sbr.ind lr, $3  }
0x3a: {  	_ = 	snop  }
0x3b: {  	_ = 	snop  }
0x3c: {  	p2 =	seq.s32 s10, $0x1;
	s10 =	sld [smem:$0x3FB5]  }
0x3d: {  	_ =	shalt  }
0x3e: {  	_ =	shalt  }
0x3f: {  	_ =	shalt  }
0x40: {  	_ =	shalt  }
0x41: {  	_ =	shalt  }
0x42: {  	_ =	shalt  }
0x43: {  	_ =	shalt  }
0x44: {  	_ =	shalt  }
0x45: {  	_ =	shalt  }
0x46: {  	_ =	shalt  }
0x47: {  	_ =	shalt  }
0x48: {  	_ =	shalt  }
0x49: {  	_ =	shalt  }
0x4a: {  	_ =	shalt  }
0x4b: {  	_ =	shalt  }
0x4c: {  	_ =	shalt  }
0x4d: {  	_ =	shalt  }
0x4e: {  	_ =	shalt  }
0x4f: {  	_ =	shalt  }
0x50: {  	_ =	shalt  }
0x51: {  	_ =	shalt  }
0x52: {  	_ =	shalt  }
0x53: {  	_ =	shalt  }
0x54: {  	_ =	shalt  }
0x55: {  	_ =	shalt  }
0x56: {  	_ =	shalt  }
0x57: {  	_ =	shalt  }
0x58: {  	_ =	shalt  }
0x59: {  	_ =	shalt  }
0x5a: {  	_ =	shalt  }
0x5b: {  	_ =	shalt  }
0x5c: {  	_ =	shalt  }
0x5d: {  	_ =	shalt  }
0x5e: {  	_ =	shalt  }
0x5f: {  	_ =	shalt  }
0x60: {  	_ =	shalt  }
0x61: {  	_ =	shalt  }
0x62: {  	_ =	shalt  }
0x63: {  	_ =	shalt  }
0x64: {  	_ =	shalt  }
0x65: {  	_ =	shalt  }
0x66: {  	_ =	shalt  }
0x67: {  	_ =	shalt  }
0x68: {  	_ =	shalt  }
0x69: {  	_ =	shalt  }
0x6a: {  	_ =	shalt  }
0x6b: {  	_ =	shalt  }
0x6c: {  	_ =	shalt  }
0x6d: {  	_ =	shalt  }
0x6e: {  	_ =	shalt  }
0x6f: {  	_ =	shalt  }
0x70: {  	_ =	shalt  }
0x71: {  	_ =	shalt  }
0x72: {  	_ =	shalt  }
0x73: {  	_ =	shalt  }
0x74: {  	_ =	shalt  }
0x75: {  	_ =	shalt  }
0x76: {  	_ =	shalt  }
0x77: {  	_ =	shalt  }
0x78: {  	_ =	shalt  }
0x79: {  	_ =	shalt  }
0x7a: {  	_ =	shalt  }
0x7b: {  	_ =	shalt  }
0x7c: {  	_ =	shalt  }
0x7d: {  	_ =	shalt  }
0x7e: {  	_ =	shalt  }
0x7f: {  	_ =	shalt  }
0x80: {  	_ =	shalt  }
0x81: {  	_ =	shalt  }
0x82: {  	_ =	shalt  }
0x83: {  	_ =	shalt  }
0x84: {  	_ =	shalt  }
0x85: {  	_ =	shalt  }
0x86: {  	_ =	shalt  }
0x87: {  	_ =	shalt  }
.Lfunc_end0:
.L_simem_size_0:
called_computation_lowered:
.L_overlay_start_0:
0x88: {  	s2 =	sld [smem:$0x3FD9]  }
0x89: {  	s3 =	sld [smem:$0x3FFE];
	_ =	sdelay $0x1  }
0x8a: {  	s1 =	srdreg.scid  }
0x8b: {  	s0 =	sand.u32 $0x1, s1  }
0x8c: {  	s17 =	sshll.u32 s0, $0xA;
	s2 =	sadd.s32 s3, s2  }
0x8d: {  	s2 =	sadd.s32 s2, s17  }
0x8e: {  	[smem:$0x3FC1] =	sst s2  }
0x8f: {  	_ = 	snop  }
0x90: {  	s2 =	sld [smem:$0x3FC9]  }
0x91: {  	s18 =	sld [smem:$0x3FD0];
	(tm) =	ssettm $0x1  }
0x92: {  	s4 =	sld [smem:$0x3FFB];
	_ =	sdelay $0x3  }
0x93: {  	_ =	strace s4  }
0x94: {  	s4 =	sld [smem:$0x3FFC];
	_ =	sdelay $0x3  }
0x95: {  	_ =	strace s4  }
0x96: {  	s4 =	sld [smem:$0x3FFD];
	_ =	sdelay $0x3  }
0x97: {  	_ =	strace s4  }
0x98: {  	_ =	strace $0x8FFFFFFF  }
0x99: {  	s19 =	sld [smem:$0x3FDB];
	_ =	sdelay $0x1  }
0x9a: {  	s5 =	simm.s32 $_scs_section_size  }
0x9b: {  	s6 =	simm.s32 $_size__tile_overlayer_lowered;
	s7 =	simm.s32 $_tile_overlayer_lowered  }
0x9c: {  	s22 =	simm.s32 $0x1BFF;
	s21 =	sshll.u32 s7, $0x1;
	s4 =	sadd.s32 s5, s19  }
0x9d: {  	s8 =	simm.s32 $0x0;
	s20 =	sshll.u32 s6, $0x1;
	s6 =	sadd.s32 s21, s4  }
0x9e: {  	[timem:s8], [sflag:s22] =	dma.local [hbm:s6], s20  }
0x9f: {  	_ =	swait.ge [sflag:s22], s20  }
0xa0: {  	s5 =	ssub.s32 $0x0, s20;
	[sflag:s22] =	ssyncset.done $0x0  }
0xa1: {  	[sflag:s22] =	ssyncadd.s32 s5;
	_ =	sdelay $0x1  }
0xa2: {  	s23 =	simm.s32 $0x1B8B  }
0xa3: {  	_ =	swait.ge [sflag:s23], $0x1  }
0xa4: {  	[sflag:s23] =	ssyncset.done $0x0  }
0xa5: {  	s25 =	simm.s32 $0x1B8E;
	s24 =	sld [smem:$0x3FFE];
	[sflag:s23] =	ssyncadd.s32 $0xFFFFFFFF  }
0xa6: {  	s26 =	simm.s32 $execute0_lowered;
	[smem:$0x3FD2] =	sst s25  }
0xa7: {  	s6 =	sshll.u32 s26, $0x1;
	_ =	strace $0x80000046;
	[dreg:$0x1] =	wrdreg $0xFFFFFFFF  }
0xa8: {  	s28 =	simm.s32 $_size_execute0_lowered;
	s4 =	sadd.s32 s4, s6;
	[dreg:$0x0] =	wrdreg $0x0  }
0xa9: {  	s6 =	sshll.u32 s28, $0x1;
	[dreg:$0x2] =	wrdreg s4  }
0xaa: {  	[dreg:$0x3] =	wrdreg s6  }
0xab: {  	[dreg:$0x4] =	wrdreg $0xC0  }
0xac: {  	_ =	task [dreg:s8], $0x5FFFF  }
0xad: {  	[dreg:$0x1] =	wrdreg $0xFFFFFFFF  }
0xae: {  	[dreg:$0x0] =	wrdreg $0x60  }
0xaf: {  	[dreg:$0x2] =	wrdreg s18  }
0xb0: {  	[dreg:$0x3] =	wrdreg s2  }
0xb1: {  	[dreg:$0x4] =	wrdreg s24  }
0xb2: {  	[dreg:$0x5] =	wrdreg $0x9  }
0xb3: {  	_ =	task.clear_ibuf [dreg:s8], $0x6FFFF;
	_ =	strace $0x90000046  }
0xb4: {  	s29 =	simm.s32 $0x9;
	_ =	strace $0x80000048  }
0xb5: {  	_ =	swait.ge [sflag:s29], $0x1  }
0xb6: {  	[sflag:s29] =	ssyncadd.s32 $0xFFFFFFFF  }
0xb7: {  	_ =	strace $0x90000048  }
0xb8: {  	_ =	sfence  }
0xb9: {  	s30 =	sld [smem:$0x0];
	_ =	sdelay $0x2  }
0xba: {  	s31 =	sshll.u32 s1, $0xD;
	s1 =	sshrl.u32 s1, $0x2  }
0xbb: {  	s3 =	sand.u32 $0x4000, s31;
	s1 =	sadd.s32 s1, s30  }
0xbc: {  	s0 =	sor.u32 s3, s0;
	s1 =	sshll.u32 s1, $0x11  }
0xbd: {  	s0 =	sor.u32 s1, s0  }
0xbe: {  	s0 =	sadd.s32 $0x8F2B, s0  }
0xbf: {  	[sflag:s0] =	ssyncadd.remote.s32 $0x1  }
0xc0: {  	_ =	sfence.sel $0xFFFF  }
0xc1: {  	[dreg:$0x0] =	wrdreg $0xFFFFFFFF;
	(pc) =	sbr.abs _section_cstart, $3  }
0xc2: {  	[dreg:$0x1] =	wrdreg $0xFFFFFFFF  }
0xc3: {  	_ =	task.clear_ibuf [dreg:s8], $0x2FFFF;
	_ =	strace $0x9FFFFFFF  }
0xc4: {  	(tm) =	ssettm $0x7FFFFFFF  }
0xc5: {  	_ =	shalt  }
tec
execute0_lowered:
.L_overlay_start_1:
0x0: {  	(tag) =	ssettag $0x1  }
0x1: {  	s1 =	srdreg.scid;
	s0 =	stileid.u32  }
0x2: {  	s18 =	sand.u32 $0x1, s1;
	s31 =	sshll.u32 s0, $0x1  }
0x3: {  	s2 =	rddreg [dreg:$0x0];
	s15 =	sor.u32 s18, s31  }
0x4: {  	s14 =	rddreg [dreg:$0x1];
	s12 =	smul.u32 $0x138, s15  }
0x5: {  	s21 =	rddreg [dreg:$0x2];
	s3 =	simm.s32 $0x0  }
0x6: {  	s5 =	simm.s32 $0x2;
	[smem:$0x7FF] =	sst s3;
	s4 =	sshrl.u32 s12, $0x3  }
0x7: {  	s1 =	rddreg [dreg:$0x3];
	_ =	strace $0x80000047;
	s4 =	sadd.s32 s14, s4  }
0x8: {  	[tilespmem:s3], [sflag:$0x2] =	stream.linear.gather [hbm4b:s4+s3], $0x68, $0x38;
	[tilespmem:$0x3D00] =	vst v63  }
0x9: {  	_ =	swait.ge [sflag:s5], $0x68  }
0xa: {  	s6 =	simm.s32 $0x68;
	[sflag:s5] =	ssyncset.done $0x0  }
0xb: {  	s7 =	simm.s32 $0x80;
	s8 =	simm.s32 $0x1;
	[sflag:s5] =	ssyncadd.s32 $0xFFFFFF98  }
0xc: {  	[tilespmem:s7], [sflag:$0x1] =	stream.indirect.gather [hbm4b:s2+s6], $0x80, s3, s6, $0xb8;
	[tilespmem:$0x3D00] =	vst v63  }
0xd: {  	s9 =	smul.u32 $0x1380, s15;
	_ =	swait.ge [sflag:s8], $0x3400  }
0xe: {  	s13 =	sadd.s32 $0x1800, s21;
	[sflag:s8] =	ssyncset.done $0x0  }
0xf: {  	s9 =	sadd.s32 s13, s9;
	[sflag:s8] =	ssyncadd.s32 $0xFFFFCC00  }
0x10: {  	[hbm4b:s9+s3] =	stream.linear.scatter [tilespmem:s7], [sflag:$0x2], $0x3400, $0x38;
	[tilespmem:$0x3D00] =	vst v63  }
0x11: {  	s11 =	sadd.s32 $0x68, s12;
	_ =	swait.ge [sflag:s5], $0x3400  }
0x12: {  	s10 =	sshrl.u32 s11, $0x3;
	[sflag:s5] =	ssyncset.done $0x0  }
0x13: {  	s10 =	sadd.s32 s14, s10;
	[sflag:s5] =	ssyncadd.s32 $0xFFFFCC00  }
0x14: {  	[tilespmem:s3], [sflag:$0x2] =	stream.linear.gather [hbm4b:s10+s3], $0x68, $0x38;
	[tilespmem:$0x3D00] =	vst v63  }
0x15: {  	_ =	swait.ge [sflag:s5], $0x68  }
0x16: {  	[sflag:s5] =	ssyncset.done $0x0  }
0x17: {  	[sflag:s5] =	ssyncadd.s32 $0xFFFFFF98  }
0x18: {  	[tilespmem:s7], [sflag:$0x1] =	stream.indirect.gather [hbm4b:s2+s6], $0x80, s3, s6, $0xb8;
	[tilespmem:$0x3D00] =	vst v63  }
0x19: {  	_ =	swait.ge [sflag:s8], $0x3400  }
0x1a: {  	s11 =	sshll.u32 s11, $0x4;
	[sflag:s8] =	ssyncset.done $0x0  }
0x1b: {  	s11 =	sadd.s32 s13, s11;
	[sflag:s8] =	ssyncadd.s32 $0xFFFFCC00  }
0x1c: {  	[hbm4b:s11+s3] =	stream.linear.scatter [tilespmem:s7], [sflag:$0x2], $0x3400, $0x38;
	[tilespmem:$0x3D00] =	vst v63  }
0x1d: {  	s16 =	sadd.s32 $0xD0, s12;
	_ =	swait.ge [sflag:s5], $0x3400  }
0x1e: {  	s12 =	sshrl.u32 s16, $0x3;
	[sflag:s5] =	ssyncset.done $0x0  }
0x1f: {  	s12 =	sadd.s32 s14, s12;
	[sflag:s5] =	ssyncadd.s32 $0xFFFFCC00  }
0x20: {  	[tilespmem:s3], [sflag:$0x2] =	stream.linear.gather [hbm4b:s12+s3], $0x68, $0x38;
	[tilespmem:$0x3D00] =	vst v63  }
0x21: {  	_ =	swait.ge [sflag:s5], $0x68  }
0x22: {  	[sflag:s5] =	ssyncset.done $0x0  }
0x23: {  	[sflag:s5] =	ssyncadd.s32 $0xFFFFFF98  }
0x24: {  	[tilespmem:s7], [sflag:$0x1] =	stream.indirect.gather [hbm4b:s2+s6], $0x80, s3, s6, $0xb8;
	[tilespmem:$0x3D00] =	vst v63  }
0x25: {  	_ =	swait.ge [sflag:s8], $0x3400  }
0x26: {  	s16 =	sshll.u32 s16, $0x4;
	[sflag:s8] =	ssyncset.done $0x0  }
0x27: {  	s22 =	ssub.s32 $0x2, s18;
	s13 =	sadd.s32 s13, s16;
	[sflag:s8] =	ssyncadd.s32 $0xFFFFCC00  }
0x28: {  	[hbm4b:s13+s3] =	stream.linear.scatter [tilespmem:s7], [sflag:$0x2], $0x3400, $0x38;
	[tilespmem:$0x3D00] =	vst v63  }
0x29: {  	p0 =	sne.s32 s15, $0x0;
	s15 =	sadd.s32 $0x4E0, s14;
	_ =	swait.ge [sflag:s5], $0x3400  }
0x2a: {  	s23 =	sshrl.u32 s22, $0x1;
	s17 =	simm.s32 @!p0 $0x3480;
	[sflag:s5] =	ssyncset.done $0x0  }
0x2b: {  	s14 =	simm.s32 @!p0 $0x2;
	s16 =	simm.s32 @!p0 $0x0;
	[sflag:s5] =	ssyncadd.s32 $0xFFFFCC00  }
0x2c: {  	[tilespmem:s17], [sflag:$0x2] =	stream.linear.gather @!p0 [hbm4b:s15+s16], $0x10, $0x38;
	[tilespmem:$0x3D00] =	vst v63  }
0x2d: {  	s18 =	simm.s32 @!p0 $0x1;
	s22 =	ssub.s32 s22, s23;
	_ =	swait.ge @!p0 [sflag:s14], $0x10  }
0x2e: {  	s19 =	simm.s32 @!p0 $0x10;
	s22 =	smax.u32 s22, $0x1;
	[sflag:s14] =	ssyncset.done @!p0 $0x0  }
0x2f: {  	s20 =	simm.s32 @!p0 $0x3500;
	s22 =	sadd.s32 $0xFFFFFFFF, s22;
	[sflag:s14] =	ssyncadd.s32 @!p0 $0xFFFFFFF0  }
0x30: {  	[tilespmem:s20], [sflag:$0x1] =	stream.indirect.gather @!p0 [hbm4b:s2+s19], $0x80, s17, s19, $0xb8;
	[tilespmem:$0x3D00] =	vst v63  }
0x31: {  	p1 =	sne.s32 s22, $0x0;
	_ =	swait.ge @!p0 [sflag:s18], $0x800  }
.Ltmp0:
0x32: {  	[sflag:s18] =	ssyncset.done @!p0 $0x0;
	(pc) =	sbr.rel @!p1 .LBB2_2-.Ltmp0, $4  }
0x33: {  	s21 =	sadd.s32 $0x28800, s21;
	[sflag:s18] =	ssyncadd.s32 @!p0 $0xFFFFF800  }
0x34: {  	[hbm4b:s21+s16] =	stream.linear.scatter @!p0 [tilespmem:s20], [sflag:$0x2], $0x800, $0x38;
	[tilespmem:$0x3D00] =	vst v63  }
0x35: {  	_ =	swait.ge @!p0 [sflag:s14], $0x800  }
0x36: {  	[sflag:s14] =	ssyncset.done @!p0 $0x0  }
.LBB2_1:
0x37: {  	s22 =	sadd.s32 $0xFFFFFFFF, s22;
	[sflag:s14] =	ssyncadd.s32 @!p0 $0xFFFFF800  }
0x38: {  	[tilespmem:s3], [sflag:$0x2] =	stream.linear.gather [hbm4b:s4+s3], $0x68, $0x38;
	[tilespmem:$0x3D00] =	vst v63  }
0x39: {  	p1 =	sne.s32 s22, $0x0;
	_ =	swait.ge [sflag:s5], $0x68  }
0x3a: {  	[sflag:s5] =	ssyncset.done $0x0  }
0x3b: {  	[sflag:s5] =	ssyncadd.s32 $0xFFFFFF98  }
0x3c: {  	[tilespmem:s7], [sflag:$0x1] =	stream.indirect.gather [hbm4b:s2+s6], $0x80, s3, s6, $0xb8;
	[tilespmem:$0x3D00] =	vst v63  }
0x3d: {  	_ =	swait.ge [sflag:s8], $0x3400  }
0x3e: {  	[sflag:s8] =	ssyncset.done $0x0  }
0x3f: {  	[sflag:s8] =	ssyncadd.s32 $0xFFFFCC00  }
0x40: {  	[hbm4b:s9+s3] =	stream.linear.scatter [tilespmem:s7], [sflag:$0x2], $0x3400, $0x38;
	[tilespmem:$0x3D00] =	vst v63  }
0x41: {  	_ =	swait.ge [sflag:s5], $0x3400  }
0x42: {  	[sflag:s5] =	ssyncset.done $0x0  }
0x43: {  	[sflag:s5] =	ssyncadd.s32 $0xFFFFCC00  }
0x44: {  	[tilespmem:s3], [sflag:$0x2] =	stream.linear.gather [hbm4b:s10+s3], $0x68, $0x38;
	[tilespmem:$0x3D00] =	vst v63  }
0x45: {  	_ =	swait.ge [sflag:s5], $0x68  }
0x46: {  	[sflag:s5] =	ssyncset.done $0x0  }
0x47: {  	[sflag:s5] =	ssyncadd.s32 $0xFFFFFF98  }
0x48: {  	[tilespmem:s7], [sflag:$0x1] =	stream.indirect.gather [hbm4b:s2+s6], $0x80, s3, s6, $0xb8;
	[tilespmem:$0x3D00] =	vst v63  }
0x49: {  	_ =	swait.ge [sflag:s8], $0x3400  }
0x4a: {  	[sflag:s8] =	ssyncset.done $0x0  }
0x4b: {  	[sflag:s8] =	ssyncadd.s32 $0xFFFFCC00  }
0x4c: {  	[hbm4b:s11+s3] =	stream.linear.scatter [tilespmem:s7], [sflag:$0x2], $0x3400, $0x38;
	[tilespmem:$0x3D00] =	vst v63  }
0x4d: {  	_ =	swait.ge [sflag:s5], $0x3400  }
0x4e: {  	[sflag:s5] =	ssyncset.done $0x0  }
0x4f: {  	[sflag:s5] =	ssyncadd.s32 $0xFFFFCC00  }
0x50: {  	[tilespmem:s3], [sflag:$0x2] =	stream.linear.gather [hbm4b:s12+s3], $0x68, $0x38;
	[tilespmem:$0x3D00] =	vst v63  }
0x51: {  	_ =	swait.ge [sflag:s5], $0x68  }
0x52: {  	[sflag:s5] =	ssyncset.done $0x0  }
0x53: {  	[sflag:s5] =	ssyncadd.s32 $0xFFFFFF98  }
0x54: {  	[tilespmem:s7], [sflag:$0x1] =	stream.indirect.gather [hbm4b:s2+s6], $0x80, s3, s6, $0xb8;
	[tilespmem:$0x3D00] =	vst v63  }
0x55: {  	_ =	swait.ge [sflag:s8], $0x3400  }
0x56: {  	[sflag:s8] =	ssyncset.done $0x0  }
0x57: {  	[sflag:s8] =	ssyncadd.s32 $0xFFFFCC00  }
0x58: {  	[hbm4b:s13+s3] =	stream.linear.scatter [tilespmem:s7], [sflag:$0x2], $0x3400, $0x38;
	[tilespmem:$0x3D00] =	vst v63  }
0x59: {  	_ =	swait.ge [sflag:s5], $0x3400  }
0x5a: {  	[sflag:s5] =	ssyncset.done $0x0  }
0x5b: {  	[sflag:s5] =	ssyncadd.s32 $0xFFFFCC00  }
0x5c: {  	[tilespmem:s17], [sflag:$0x2] =	stream.linear.gather @!p0 [hbm4b:s15+s16], $0x10, $0x38;
	[tilespmem:$0x3D00] =	vst v63  }
0x5d: {  	_ =	swait.ge @!p0 [sflag:s14], $0x10  }
0x5e: {  	[sflag:s14] =	ssyncset.done @!p0 $0x0  }
0x5f: {  	[sflag:s14] =	ssyncadd.s32 @!p0 $0xFFFFFFF0  }
0x60: {  	[tilespmem:s20], [sflag:$0x1] =	stream.indirect.gather @!p0 [hbm4b:s2+s19], $0x80, s17, s19, $0xb8;
	[tilespmem:$0x3D00] =	vst v63  }
0x61: {  	_ =	swait.ge @!p0 [sflag:s18], $0x800  }
.Ltmp1:
0x62: {  	[sflag:s18] =	ssyncset.done @!p0 $0x0;
	(pc) =	sbr.rel @p1 .LBB2_1-.Ltmp1, $4  }
0x63: {  	[sflag:s18] =	ssyncadd.s32 @!p0 $0xFFFFF800  }
0x64: {  	[hbm4b:s21+s16] =	stream.linear.scatter @!p0 [tilespmem:s20], [sflag:$0x2], $0x800, $0x38;
	[tilespmem:$0x3D00] =	vst v63  }
0x65: {  	_ =	swait.ge @!p0 [sflag:s14], $0x800  }
0x66: {  	[sflag:s14] =	ssyncset.done @!p0 $0x0  }
.LBB2_2:
0x67: {  	[sflag:s14] =	ssyncadd.s32 @!p0 $0xFFFFF800  }
0x68: {  	_ =	sfence.sel $0x180000  }
0x69: {  	[bflag:$0x0] =	sbarrier.arrive $0xFFFF  }
0x6a: {  	p0 =	sne.s32 s0, $0x0;
	_ =	strace $0x90000047  }
0x6b: {  	s0 =	sadd.s32 @!p0 $0x100000, s1;
	[bflag:$0x2] =	sbarrier.arrive $0xFFFF  }
0x6c: {  	[sflag:s0] =	ssyncadd.tile.s32 @!p0 $0x1;
	_ =	shalt  }
.Lfunc_end2:
_tile_overlayer_lowered:
.L_overlay_start_2:
0x6d: {  	(tag) =	ssettag $0x2  }
0x6e: {  	s0 =	rddreg [dreg:$0x0];
	s2 =	stileid.u32  }
0x6f: {  	s1 =	rddreg [dreg:$0x1];
	p0 =	sne.s32 s2, $0x0  }
0x70: {  	s3 =	rddreg [dreg:$0x2];
	[bflag:$0x3] =	sbarrier.arrive $0xFFFF;
	s2 =	simm.s32 @!p0 $0x1C02  }
0x71: {  	[timem:s3], [sflag:s2] =	dma.local @!p0 [hbm:s0], s1  }
0x72: {  	s0 =	simm.s32 @!p0 $0x2  }
0x73: {  	_ =	swait.ge @!p0 [sflag:s0], s1  }
0x74: {  	s1 =	ssub.s32 @!p0 $0x0, s1;
	[sflag:s0] =	ssyncset.done @!p0 $0x0  }
0x75: {  	[sflag:s0] =	ssyncadd.s32 @!p0 s1  }
0x76: {  	[bflag:$0x3] =	sbarrier.arrive $0xFFFF  }
0x77: {  	_ =	shalt  }

</sc_bundles>
